<compile_context>
chip_gen: v7x
topology: tpu7x:2x2x1
jax: 0.10.2.dev20260603
libtpu: 0.0.44.dev20260713+nightly
codegen_flags: <defaults>
</compile_context>

<pallas_src>
import jax
import jax.numpy as jnp
from jax import lax
from jax.experimental import pallas as pl
from jax.experimental.pallas import tpu as pltpu
from jax.experimental.pallas import tpu_sc as plsc

NC = 2
NS = 16
LANES = 16
NW = NC * NS

CHUNK = 128


def _dot16(ubuf, ibuf, row, d):
    acc = None
    for c in range(d // LANES):
        u = ubuf[row, pl.ds(c * LANES, LANES)]
        v = ibuf[row, pl.ds(c * LANES, LANES)]
        t = u * v
        acc = t if acc is None else acc + t
    return plsc.cumsum(acc)


def _cf_body(uid_hbm, iid_hbm, utab_hbm, itab_hbm, out_hbm,
             uidx_v, iidx_v, ub0, ib0, ub1, ib1, out_v,
             su0, si0, su1, si1, so):
    d = utab_hbm.shape[1]
    bpw = uidx_v.shape[0]
    n_chunks = bpw // CHUNK
    wid = lax.axis_index("s") * NC + lax.axis_index("c")
    base = wid * bpw

    c_u = pltpu.async_copy(uid_hbm.at[pl.ds(base, bpw)], uidx_v, su0)
    c_i = pltpu.async_copy(iid_hbm.at[pl.ds(base, bpw)], iidx_v, si0)
    c_u.wait()
    c_i.wait()

    lane = lax.iota(jnp.int32, LANES)
    out_mask = lane == LANES - 1

    def start(j, ub, ib, su, si):
        pltpu.async_copy(utab_hbm.at[uidx_v.at[pl.ds(j * CHUNK, CHUNK)]],
                         ub, su)
        pltpu.async_copy(itab_hbm.at[iidx_v.at[pl.ds(j * CHUNK, CHUNK)]],
                         ib, si)

    def phase(j, ub, ib, su, si):
        pltpu.make_async_copy(
            utab_hbm.at[uidx_v.at[pl.ds(0, CHUNK)]], ub, su).wait()
        pltpu.make_async_copy(
            itab_hbm.at[iidx_v.at[pl.ds(0, CHUNK)]], ib, si).wait()

        @plsc.parallel_loop(0, CHUNK, unroll=2)
        def _row(r):
            scan = _dot16(ub, ib, r, d)
            idx = jnp.full((LANES,), 0, jnp.int32) + (j * CHUNK + r)
            plsc.store_scatter(out_v, [idx], scan, mask=out_mask)

        @pl.when(j + 2 < n_chunks)
        def _():
            start(j + 2, ub, ib, su, si)

    start(0, ub0, ib0, su0, si0)
    start(1, ub1, ib1, su1, si1)

    def pair_body(p, carry):
        phase(2 * p, ub0, ib0, su0, si0)
        phase(2 * p + 1, ub1, ib1, su1, si1)
        pltpu.async_copy(out_v.at[pl.ds(2 * p * CHUNK, 2 * CHUNK)],
                         out_hbm.at[pl.ds(base + 2 * p * CHUNK, 2 * CHUNK)],
                         so)
        return carry

    lax.fori_loop(0, n_chunks // 2, pair_body, 0)

    for _ in range(n_chunks // 2):
        pltpu.make_async_copy(
            out_v.at[pl.ds(0, 2 * CHUNK)],
            out_hbm.at[pl.ds(base, 2 * CHUNK)], so).wait()


def kernel(user_ids, item_ids, user_hidden_emb, item_hidden_emb):
    b = user_ids.shape[0]
    d = user_hidden_emb.shape[1]
    bpw = b // NW

    mesh = plsc.VectorSubcoreMesh(core_axis_name="c", subcore_axis_name="s")
    f = pl.kernel(
        _cf_body,
        out_type=jax.ShapeDtypeStruct((b,), jnp.float32),
        mesh=mesh,
        compiler_params=pltpu.CompilerParams(needs_layout_passes=False),
        scratch_types=[
            pltpu.VMEM((bpw,), jnp.int32),
            pltpu.VMEM((bpw,), jnp.int32),
            pltpu.VMEM((CHUNK, d), jnp.float32),
            pltpu.VMEM((CHUNK, d), jnp.float32),
            pltpu.VMEM((CHUNK, d), jnp.float32),
            pltpu.VMEM((CHUNK, d), jnp.float32),
            pltpu.VMEM((bpw,), jnp.float32),
            pltpu.SemaphoreType.DMA,
            pltpu.SemaphoreType.DMA,
            pltpu.SemaphoreType.DMA,
            pltpu.SemaphoreType.DMA,
            pltpu.SemaphoreType.DMA,
        ],
    )
    out = f(user_ids.astype(jnp.int32), item_ids.astype(jnp.int32),
            user_hidden_emb, item_hidden_emb)
    return out.reshape(-1, 1)

# --- scband reference (transcript-rebuilt; emitter-appended) ---
"""Pipeline reference for scband-collaborative-filtering-86208583565762 (READ-ONLY COPY).

The authoritative reference and input builder live on the scoring server;
editing this copy changes nothing except your own understanding.
"""

import jax, jax.numpy as jnp
import numpy as np

USER_SIZE = 100000
ITEM_SIZE = 100000
LATENT = 128
BATCH = 16384

def _kaiming_uniform(key, shape):
    # torch kaiming_uniform_ default: a=sqrt(5) -> gain=sqrt(2/(1+5)), bound = gain*sqrt(3/fan_in)
    fan_in = shape[1]
    gain = np.sqrt(2.0 / (1.0 + 5.0))
    bound = gain * np.sqrt(3.0 / fan_in)
    return jax.random.uniform(key, shape, dtype=jnp.float32, minval=-bound, maxval=bound)

def setup_inputs(seed: int = 0) -> dict:
    key = jax.random.key(seed)
    k1, k2, k3, k4 = jax.random.split(key, 4)
    user_ids = jax.random.randint(k1, (BATCH,), 0, USER_SIZE, dtype=jnp.int64) if jax.config.jax_enable_x64 else jax.random.randint(k1, (BATCH,), 0, USER_SIZE, dtype=jnp.int32)
    item_ids = jax.random.randint(k2, (BATCH,), 0, ITEM_SIZE, dtype=jnp.int32)
    user_ids = user_ids.astype(jnp.int32)
    user_hidden_emb = _kaiming_uniform(k3, (USER_SIZE, LATENT))
    item_hidden_emb = _kaiming_uniform(k4, (ITEM_SIZE, LATENT))
    return {"user_ids": user_ids, "item_ids": item_ids,
            "user_hidden_emb": user_hidden_emb, "item_hidden_emb": item_hidden_emb}

def reference(user_ids, item_ids, user_hidden_emb, item_hidden_emb):
    # user_batch = self.user_hidden_emb[user_id_list]
    user_batch = jnp.take(user_hidden_emb, user_ids, axis=0)
    # item_batch = self.item_hidden_emb[item_id_list]
    item_batch = jnp.take(item_hidden_emb, item_ids, axis=0)
    # process_batch: standard collaborative-filtering latent dot product
    rating_matrix = jnp.sum(user_batch * item_batch, axis=-1).reshape(-1, 1)
    # is_training=False path: return rating_matrix
    return rating_matrix

if __name__ == "__main__":
    import jax
    _d = setup_inputs()
    print(jax.jit(kernel)(*tuple(_d.values())))

</pallas_src>

<mosaic_0001>
#map = affine_map<(d0, d1) -> (0)>
#map1 = affine_map<(d0, d1) -> (0, 0)>
module attributes {stable_mosaic.version = 14 : i64} {
  func.func @_cf_body(%arg0: i32, %arg1: i32, %arg2: memref<16384xi32, #tpu.memory_space<hbm>>, %arg3: memref<16384xi32, #tpu.memory_space<hbm>>, %arg4: memref<100000x128xf32, #tpu.memory_space<hbm>>, %arg5: memref<100000x128xf32, #tpu.memory_space<hbm>>, %arg6: memref<16384xf32, #tpu.memory_space<hbm>>, %arg7: memref<512xi32, #tpu.memory_space<vmem>>, %arg8: memref<512xi32, #tpu.memory_space<vmem>>, %arg9: memref<128x128xf32, #tpu.memory_space<vmem>>, %arg10: memref<128x128xf32, #tpu.memory_space<vmem>>, %arg11: memref<128x128xf32, #tpu.memory_space<vmem>>, %arg12: memref<128x128xf32, #tpu.memory_space<vmem>>, %arg13: memref<512xf32, #tpu.memory_space<vmem>>, %arg14: memref<!tpu.dma_semaphore, #tpu.memory_space<semaphore_mem>>, %arg15: memref<!tpu.dma_semaphore, #tpu.memory_space<semaphore_mem>>, %arg16: memref<!tpu.dma_semaphore, #tpu.memory_space<semaphore_mem>>, %arg17: memref<!tpu.dma_semaphore, #tpu.memory_space<semaphore_mem>>, %arg18: memref<!tpu.dma_semaphore, #tpu.memory_space<semaphore_mem>>) attributes {dimension_semantics = [#tpu.dimension_semantics<core_parallel>, #tpu.dimension_semantics<subcore_parallel>], iteration_bounds = array<i64: 2, 16>, scalar_prefetch = 0 : i64, scratch_operands = 12 : i64, tpu.core_type = #tpu.core_type<sc_vector_subcore>, window_params = [{transform_indices = #map}, {transform_indices = #map}, {transform_indices = #map1}, {transform_indices = #map1}, {transform_indices = #map}]} {
    %mul3A = arith.constant 2 : i32
    %mul3A_0 = arith.muli %arg1, %mul3A : i32
    %add3A = arith.addi %mul3A_0, %arg0 : i32
    %mul3A_1 = arith.constant 512 : i32
    %mul3A_2 = arith.muli %add3A, %mul3A_1 : i32
    %dma_start3A = tpu.memref_slice %arg2[%mul3A_2] : memref<16384xi32, #tpu.memory_space<hbm>> -> memref<512xi32, #tpu.memory_space<hbm>>
    %dma_start3A_3 = tpu.memref_slice %arg2[%mul3A_2] : memref<16384xi32, #tpu.memory_space<hbm>> -> memref<512xi32, #tpu.memory_space<hbm>>
    tpu.enqueue_dma source(%dma_start3A_3 : memref<512xi32, #tpu.memory_space<hbm>>) target(%arg7 : memref<512xi32, #tpu.memory_space<vmem>>) target_semaphore(%arg14 : memref<!tpu.dma_semaphore, #tpu.memory_space<semaphore_mem>>)
    %dma_start3A_4 = tpu.memref_slice %arg3[%mul3A_2] : memref<16384xi32, #tpu.memory_space<hbm>> -> memref<512xi32, #tpu.memory_space<hbm>>
    %dma_start3A_5 = tpu.memref_slice %arg3[%mul3A_2] : memref<16384xi32, #tpu.memory_space<hbm>> -> memref<512xi32, #tpu.memory_space<hbm>>
    tpu.enqueue_dma source(%dma_start3A_5 : memref<512xi32, #tpu.memory_space<hbm>>) target(%arg8 : memref<512xi32, #tpu.memory_space<vmem>>) target_semaphore(%arg15 : memref<!tpu.dma_semaphore, #tpu.memory_space<semaphore_mem>>)
    %dma_wait3A = tpu.memref_slice %arg2[%mul3A_2] : memref<16384xi32, #tpu.memory_space<hbm>> -> memref<512xi32, #tpu.memory_space<hbm>>
    %dma_wait3A_6 = tpu.memref_slice %arg2[%mul3A_2] : memref<16384xi32, #tpu.memory_space<hbm>> -> memref<512xi32, #tpu.memory_space<hbm>>
    tpu.wait_dma2 semaphore(%arg14 : memref<!tpu.dma_semaphore, #tpu.memory_space<semaphore_mem>>) src(%dma_wait3A_6 : memref<512xi32, #tpu.memory_space<hbm>>) dst(%arg7 : memref<512xi32, #tpu.memory_space<vmem>>)
    %dma_wait3A_7 = tpu.memref_slice %arg3[%mul3A_2] : memref<16384xi32, #tpu.memory_space<hbm>> -> memref<512xi32, #tpu.memory_space<hbm>>
    %dma_wait3A_8 = tpu.memref_slice %arg3[%mul3A_2] : memref<16384xi32, #tpu.memory_space<hbm>> -> memref<512xi32, #tpu.memory_space<hbm>>
    tpu.wait_dma2 semaphore(%arg15 : memref<!tpu.dma_semaphore, #tpu.memory_space<semaphore_mem>>) src(%dma_wait3A_8 : memref<512xi32, #tpu.memory_space<hbm>>) dst(%arg8 : memref<512xi32, #tpu.memory_space<vmem>>)
    %iota3A = tpu.iota {dimensions = array<i32: 0>} : vector<16xi32>
    %eq3A = arith.constant 15 : i32
    %eq3A_9 = vector.broadcast %eq3A : i32 to vector<16xi32>
    %eq3A_10 = arith.cmpi eq, %iota3A, %eq3A_9 : vector<16xi32>
    %dma_start3A_11 = arith.constant 0 : i32
    %dma_start3A_12 = tpu.memref_slice %arg7[%dma_start3A_11] : memref<512xi32, #tpu.memory_space<vmem>> -> memref<128xi32, #tpu.memory_space<vmem>>
    %dma_start3A_13 = arith.constant 0 : i32
    %dma_start3A_14 = arith.constant 0 : i32
    %dma_start3A_15 = tpu.memref_slice %arg4[%dma_start3A_13, %dma_start3A_14] : memref<100000x128xf32, #tpu.memory_space<hbm>> -> memref<100000x128xf32, #tpu.memory_space<hbm>>
    tpu.enqueue_indirect_dma source(%dma_start3A_15 : memref<100000x128xf32, #tpu.memory_space<hbm>>) target(%arg9 : memref<128x128xf32, #tpu.memory_space<vmem>>) offsets(%dma_start3A_12 : memref<128xi32, #tpu.memory_space<vmem>>) semaphore(%arg14 : memref<!tpu.dma_semaphore, #tpu.memory_space<semaphore_mem>>)
    %dma_start3A_16 = arith.constant 0 : i32
    %dma_start3A_17 = tpu.memref_slice %arg8[%dma_start3A_16] : memref<512xi32, #tpu.memory_space<vmem>> -> memref<128xi32, #tpu.memory_space<vmem>>
    %dma_start3A_18 = arith.constant 0 : i32
    %dma_start3A_19 = arith.constant 0 : i32
    %dma_start3A_20 = tpu.memref_slice %arg5[%dma_start3A_18, %dma_start3A_19] : memref<100000x128xf32, #tpu.memory_space<hbm>> -> memref<100000x128xf32, #tpu.memory_space<hbm>>
    tpu.enqueue_indirect_dma source(%dma_start3A_20 : memref<100000x128xf32, #tpu.memory_space<hbm>>) target(%arg10 : memref<128x128xf32, #tpu.memory_space<vmem>>) offsets(%dma_start3A_17 : memref<128xi32, #tpu.memory_space<vmem>>) semaphore(%arg15 : memref<!tpu.dma_semaphore, #tpu.memory_space<semaphore_mem>>)
    %dma_start3A_21 = arith.constant 128 : i32
    %dma_start3A_22 = tpu.memref_slice %arg7[%dma_start3A_21] : memref<512xi32, #tpu.memory_space<vmem>> -> memref<128xi32, #tpu.memory_space<vmem>>
    %dma_start3A_23 = arith.constant 0 : i32
    %dma_start3A_24 = arith.constant 0 : i32
    %dma_start3A_25 = tpu.memref_slice %arg4[%dma_start3A_23, %dma_start3A_24] : memref<100000x128xf32, #tpu.memory_space<hbm>> -> memref<100000x128xf32, #tpu.memory_space<hbm>>
    tpu.enqueue_indirect_dma source(%dma_start3A_25 : memref<100000x128xf32, #tpu.memory_space<hbm>>) target(%arg11 : memref<128x128xf32, #tpu.memory_space<vmem>>) offsets(%dma_start3A_22 : memref<128xi32, #tpu.memory_space<vmem>>) semaphore(%arg16 : memref<!tpu.dma_semaphore, #tpu.memory_space<semaphore_mem>>)
    %dma_start3A_26 = arith.constant 128 : i32
    %dma_start3A_27 = tpu.memref_slice %arg8[%dma_start3A_26] : memref<512xi32, #tpu.memory_space<vmem>> -> memref<128xi32, #tpu.memory_space<vmem>>
    %dma_start3A_28 = arith.constant 0 : i32
    %dma_start3A_29 = arith.constant 0 : i32
    %dma_start3A_30 = tpu.memref_slice %arg5[%dma_start3A_28, %dma_start3A_29] : memref<100000x128xf32, #tpu.memory_space<hbm>> -> memref<100000x128xf32, #tpu.memory_space<hbm>>
    tpu.enqueue_indirect_dma source(%dma_start3A_30 : memref<100000x128xf32, #tpu.memory_space<hbm>>) target(%arg12 : memref<128x128xf32, #tpu.memory_space<vmem>>) offsets(%dma_start3A_27 : memref<128xi32, #tpu.memory_space<vmem>>) semaphore(%arg17 : memref<!tpu.dma_semaphore, #tpu.memory_space<semaphore_mem>>)
    %scan3A = arith.constant 0 : i32
    %scan3A_31 = arith.constant 0 : i32
    %scan3A_32 = arith.constant 2 : i32
    %scan3A_33 = arith.addi %scan3A_31, %scan3A_32 : i32
    %scan3A_34 = arith.constant 1 : i32
    scf.for %scan3A_48 = %scan3A_31 to %scan3A_33 step %scan3A_34  : i32 {
      %mul3A_49 = arith.constant 2 : i32
      %mul3A_50 = arith.muli %mul3A_49, %scan3A_48 : i32
      %dma_wait3A_51 = arith.constant 0 : i32
      %dma_wait3A_52 = tpu.memref_slice %arg7[%dma_wait3A_51] : memref<512xi32, #tpu.memory_space<vmem>> -> memref<128xi32, #tpu.memory_space<vmem>>
      %dma_wait3A_53 = arith.constant 0 : i32
      %dma_wait3A_54 = arith.constant 0 : i32
      %dma_wait3A_55 = tpu.memref_slice %arg4[%dma_wait3A_53, %dma_wait3A_54] : memref<100000x128xf32, #tpu.memory_space<hbm>> -> memref<100000x128xf32, #tpu.memory_space<hbm>>
      tpu.wait_indirect_dma semaphore(%arg14 : memref<!tpu.dma_semaphore, #tpu.memory_space<semaphore_mem>>) src(%dma_wait3A_55 : memref<100000x128xf32, #tpu.memory_space<hbm>>) dst(%arg9 : memref<128x128xf32, #tpu.memory_space<vmem>>)
      %dma_wait3A_56 = arith.constant 0 : i32
      %dma_wait3A_57 = tpu.memref_slice %arg8[%dma_wait3A_56] : memref<512xi32, #tpu.memory_space<vmem>> -> memref<128xi32, #tpu.memory_space<vmem>>
      %dma_wait3A_58 = arith.constant 0 : i32
      %dma_wait3A_59 = arith.constant 0 : i32
      %dma_wait3A_60 = tpu.memref_slice %arg5[%dma_wait3A_58, %dma_wait3A_59] : memref<100000x128xf32, #tpu.memory_space<hbm>> -> memref<100000x128xf32, #tpu.memory_space<hbm>>
      tpu.wait_indirect_dma semaphore(%arg15 : memref<!tpu.dma_semaphore, #tpu.memory_space<semaphore_mem>>) src(%dma_wait3A_60 : memref<100000x128xf32, #tpu.memory_space<hbm>>) dst(%arg10 : memref<128x128xf32, #tpu.memory_space<vmem>>)
      %parallel_loop3A = arith.constant 0 : i32
      %parallel_loop3A_61 = arith.constant 128 : i32
      %parallel_loop3A_62 = arith.constant 1 : i32
      scf.for %parallel_loop3A_104 = %parallel_loop3A to %parallel_loop3A_61 step %parallel_loop3A_62  : i32 {
        %parallel_loop3A_105 = arith.index_cast %parallel_loop3A_104 : i32 to index
        %parallel_loop3A_106 = arith.constant 0 : index
        %parallel_loop3A_107 = tpu.vector_load %arg9[%parallel_loop3A_105, %parallel_loop3A_106] {strides = array<i32>} : memref<128x128xf32, #tpu.memory_space<vmem>>, vector<16xf32>,
        %parallel_loop3A_108 = arith.index_cast %parallel_loop3A_104 : i32 to index
        %parallel_loop3A_109 = arith.constant 0 : index
        %parallel_loop3A_110 = tpu.vector_load %arg10[%parallel_loop3A_108, %parallel_loop3A_109] {strides = array<i32>} : memref<128x128xf32, #tpu.memory_space<vmem>>, vector<16xf32>,
        %parallel_loop3A_111 = arith.mulf %parallel_loop3A_107, %parallel_loop3A_110 : vector<16xf32>
        %parallel_loop3A_112 = arith.index_cast %parallel_loop3A_104 : i32 to index
        %parallel_loop3A_113 = arith.constant 16 : index
        %parallel_loop3A_114 = tpu.vector_load %arg9[%parallel_loop3A_112, %parallel_loop3A_113] {strides = array<i32>} : memref<128x128xf32, #tpu.memory_space<vmem>>, vector<16xf32>,
        %parallel_loop3A_115 = arith.index_cast %parallel_loop3A_104 : i32 to index
        %parallel_loop3A_116 = arith.constant 16 : index
        %parallel_loop3A_117 = tpu.vector_load %arg10[%parallel_loop3A_115, %parallel_loop3A_116] {strides = array<i32>} : memref<128x128xf32, #tpu.memory_space<vmem>>, vector<16xf32>,
        %parallel_loop3A_118 = arith.mulf %parallel_loop3A_114, %parallel_loop3A_117 : vector<16xf32>
        %parallel_loop3A_119 = arith.addf %parallel_loop3A_111, %parallel_loop3A_118 : vector<16xf32>
        %parallel_loop3A_120 = arith.index_cast %parallel_loop3A_104 : i32 to index
        %parallel_loop3A_121 = arith.constant 32 : index
        %parallel_loop3A_122 = tpu.vector_load %arg9[%parallel_loop3A_120, %parallel_loop3A_121] {strides = array<i32>} : memref<128x128xf32, #tpu.memory_space<vmem>>, vector<16xf32>,
        %parallel_loop3A_123 = arith.index_cast %parallel_loop3A_104 : i32 to index
        %parallel_loop3A_124 = arith.constant 32 : index
        %parallel_loop3A_125 = tpu.vector_load %arg10[%parallel_loop3A_123, %parallel_loop3A_124] {strides = array<i32>} : memref<128x128xf32, #tpu.memory_space<vmem>>, vector<16xf32>,
        %parallel_loop3A_126 = arith.mulf %parallel_loop3A_122, %parallel_loop3A_125 : vector<16xf32>
        %parallel_loop3A_127 = arith.addf %parallel_loop3A_119, %parallel_loop3A_126 : vector<16xf32>
        %parallel_loop3A_128 = arith.index_cast %parallel_loop3A_104 : i32 to index
        %parallel_loop3A_129 = arith.constant 48 : index
        %parallel_loop3A_130 = tpu.vector_load %arg9[%parallel_loop3A_128, %parallel_loop3A_129] {strides = array<i32>} : memref<128x128xf32, #tpu.memory_space<vmem>>, vector<16xf32>,
        %parallel_loop3A_131 = arith.index_cast %parallel_loop3A_104 : i32 to index
        %parallel_loop3A_132 = arith.constant 48 : index
        %parallel_loop3A_133 = tpu.vector_load %arg10[%parallel_loop3A_131, %parallel_loop3A_132] {strides = array<i32>} : memref<128x128xf32, #tpu.memory_space<vmem>>, vector<16xf32>,
        %parallel_loop3A_134 = arith.mulf %parallel_loop3A_130, %parallel_loop3A_133 : vector<16xf32>
        %parallel_loop3A_135 = arith.addf %parallel_loop3A_127, %parallel_loop3A_134 : vector<16xf32>
        %parallel_loop3A_136 = arith.index_cast %parallel_loop3A_104 : i32 to index
        %parallel_loop3A_137 = arith.constant 64 : index
        %parallel_loop3A_138 = tpu.vector_load %arg9[%parallel_loop3A_136, %parallel_loop3A_137] {strides = array<i32>} : memref<128x128xf32, #tpu.memory_space<vmem>>, vector<16xf32>,
        %parallel_loop3A_139 = arith.index_cast %parallel_loop3A_104 : i32 to index
        %parallel_loop3A_140 = arith.constant 64 : index
        %parallel_loop3A_141 = tpu.vector_load %arg10[%parallel_loop3A_139, %parallel_loop3A_140] {strides = array<i32>} : memref<128x128xf32, #tpu.memory_space<vmem>>, vector<16xf32>,
        %parallel_loop3A_142 = arith.mulf %parallel_loop3A_138, %parallel_loop3A_141 : vector<16xf32>
        %parallel_loop3A_143 = arith.addf %parallel_loop3A_135, %parallel_loop3A_142 : vector<16xf32>
        %parallel_loop3A_144 = arith.index_cast %parallel_loop3A_104 : i32 to index
        %parallel_loop3A_145 = arith.constant 80 : index
        %parallel_loop3A_146 = tpu.vector_load %arg9[%parallel_loop3A_144, %parallel_loop3A_145] {strides = array<i32>} : memref<128x128xf32, #tpu.memory_space<vmem>>, vector<16xf32>,
        %parallel_loop3A_147 = arith.index_cast %parallel_loop3A_104 : i32 to index
        %parallel_loop3A_148 = arith.constant 80 : index
        %parallel_loop3A_149 = tpu.vector_load %arg10[%parallel_loop3A_147, %parallel_loop3A_148] {strides = array<i32>} : memref<128x128xf32, #tpu.memory_space<vmem>>, vector<16xf32>,
        %parallel_loop3A_150 = arith.mulf %parallel_loop3A_146, %parallel_loop3A_149 : vector<16xf32>
        %parallel_loop3A_151 = arith.addf %parallel_loop3A_143, %parallel_loop3A_150 : vector<16xf32>
        %parallel_loop3A_152 = arith.index_cast %parallel_loop3A_104 : i32 to index
        %parallel_loop3A_153 = arith.constant 96 : index
        %parallel_loop3A_154 = tpu.vector_load %arg9[%parallel_loop3A_152, %parallel_loop3A_153] {strides = array<i32>} : memref<128x128xf32, #tpu.memory_space<vmem>>, vector<16xf32>,
        %parallel_loop3A_155 = arith.index_cast %parallel_loop3A_104 : i32 to index
        %parallel_loop3A_156 = arith.constant 96 : index
        %parallel_loop3A_157 = tpu.vector_load %arg10[%parallel_loop3A_155, %parallel_loop3A_156] {strides = array<i32>} : memref<128x128xf32, #tpu.memory_space<vmem>>, vector<16xf32>,
        %parallel_loop3A_158 = arith.mulf %parallel_loop3A_154, %parallel_loop3A_157 : vector<16xf32>
        %parallel_loop3A_159 = arith.addf %parallel_loop3A_151, %parallel_loop3A_158 : vector<16xf32>
        %parallel_loop3A_160 = arith.index_cast %parallel_loop3A_104 : i32 to index
        %parallel_loop3A_161 = arith.constant 112 : index
        %parallel_loop3A_162 = tpu.vector_load %arg9[%parallel_loop3A_160, %parallel_loop3A_161] {strides = array<i32>} : memref<128x128xf32, #tpu.memory_space<vmem>>, vector<16xf32>,
        %parallel_loop3A_163 = arith.index_cast %parallel_loop3A_104 : i32 to index
        %parallel_loop3A_164 = arith.constant 112 : index
        %parallel_loop3A_165 = tpu.vector_load %arg10[%parallel_loop3A_163, %parallel_loop3A_164] {strides = array<i32>} : memref<128x128xf32, #tpu.memory_space<vmem>>, vector<16xf32>,
        %parallel_loop3A_166 = arith.mulf %parallel_loop3A_162, %parallel_loop3A_165 : vector<16xf32>
        %parallel_loop3A_167 = arith.addf %parallel_loop3A_159, %parallel_loop3A_166 : vector<16xf32>
        %parallel_loop3A_168 = arith.constant true
        %parallel_loop3A_169 = vector.broadcast %parallel_loop3A_168 : i1 to vector<16xi1>
        %parallel_loop3A_170 = tpu.scan <sum>, %parallel_loop3A_167 masked %parallel_loop3A_169 : vector<16xf32>, vector<16xi1> -> vector<16xf32>
        %parallel_loop3A_171 = arith.constant 0 : i32
        %parallel_loop3A_172 = vector.broadcast %parallel_loop3A_171 : i32 to vector<16xi32>
        %parallel_loop3A_173 = arith.constant 128 : i32
        %parallel_loop3A_174 = arith.muli %mul3A_50, %parallel_loop3A_173 : i32
        %parallel_loop3A_175 = arith.addi %parallel_loop3A_174, %parallel_loop3A_104 : i32
        %parallel_loop3A_176 = vector.broadcast %parallel_loop3A_175 : i32 to vector<16xi32>
        %parallel_loop3A_177 = arith.addi %parallel_loop3A_172, %parallel_loop3A_176 : vector<16xi32>
        tpu.vector_store_idx %arg13[%parallel_loop3A_177], %parallel_loop3A_170 masked %eq3A_10 : memref<512xf32, #tpu.memory_space<vmem>>[vector<16xi32>], vector<16xf32>, vector<16xi1>
      } {sc.loop_unroll_factor = 2 : i64, sc.parallel_access}
      %add3A_63 = arith.constant 2 : i32
      %add3A_64 = arith.addi %mul3A_50, %add3A_63 : i32
      %lt3A = arith.constant 4 : i32
      %lt3A_65 = arith.cmpi slt, %add3A_64, %lt3A : i32
      %convert_element_type3A = arith.extui %lt3A_65 : i1 to i32
      %cond3A = arith.constant 0 : i32
      %cond3A_66 = arith.cmpi ne, %convert_element_type3A, %cond3A : i32
      scf.if %cond3A_66 {
        %add3A_104 = arith.constant 2 : i32
        %add3A_105 = arith.addi %mul3A_50, %add3A_104 : i32
        %mul3A_106 = arith.constant 128 : i32
        %mul3A_107 = arith.muli %add3A_105, %mul3A_106 : i32
        %dma_start3A_108 = tpu.memref_slice %arg7[%mul3A_107] : memref<512xi32, #tpu.memory_space<vmem>> -> memref<128xi32, #tpu.memory_space<vmem>>
        %dma_start3A_109 = arith.constant 0 : i32
        %dma_start3A_110 = arith.constant 0 : i32
        %dma_start3A_111 = tpu.memref_slice %arg4[%dma_start3A_109, %dma_start3A_110] : memref<100000x128xf32, #tpu.memory_space<hbm>> -> memref<100000x128xf32, #tpu.memory_space<hbm>>
        tpu.enqueue_indirect_dma source(%dma_start3A_111 : memref<100000x128xf32, #tpu.memory_space<hbm>>) target(%arg9 : memref<128x128xf32, #tpu.memory_space<vmem>>) offsets(%dma_start3A_108 : memref<128xi32, #tpu.memory_space<vmem>>) semaphore(%arg14 : memref<!tpu.dma_semaphore, #tpu.memory_space<semaphore_mem>>)
        %mul3A_112 = arith.constant 128 : i32
        %mul3A_113 = arith.muli %add3A_105, %mul3A_112 : i32
        %dma_start3A_114 = tpu.memref_slice %arg8[%mul3A_113] : memref<512xi32, #tpu.memory_space<vmem>> -> memref<128xi32, #tpu.memory_space<vmem>>
        %dma_start3A_115 = arith.constant 0 : i32
        %dma_start3A_116 = arith.constant 0 : i32
        %dma_start3A_117 = tpu.memref_slice %arg5[%dma_start3A_115, %dma_start3A_116] : memref<100000x128xf32, #tpu.memory_space<hbm>> -> memref<100000x128xf32, #tpu.memory_space<hbm>>
        tpu.enqueue_indirect_dma source(%dma_start3A_117 : memref<100000x128xf32, #tpu.memory_space<hbm>>) target(%arg10 : memref<128x128xf32, #tpu.memory_space<vmem>>) offsets(%dma_start3A_114 : memref<128xi32, #tpu.memory_space<vmem>>) semaphore(%arg15 : memref<!tpu.dma_semaphore, #tpu.memory_space<semaphore_mem>>)
      } else {
      }
      %mul3A_67 = arith.constant 2 : i32
      %mul3A_68 = arith.muli %mul3A_67, %scan3A_48 : i32
      %add3A_69 = arith.constant 1 : i32
      %add3A_70 = arith.addi %mul3A_68, %add3A_69 : i32
      %dma_wait3A_71 = arith.constant 0 : i32
      %dma_wait3A_72 = tpu.memref_slice %arg7[%dma_wait3A_71] : memref<512xi32, #tpu.memory_space<vmem>> -> memref<128xi32, #tpu.memory_space<vmem>>
      %dma_wait3A_73 = arith.constant 0 : i32
      %dma_wait3A_74 = arith.constant 0 : i32
      %dma_wait3A_75 = tpu.memref_slice %arg4[%dma_wait3A_73, %dma_wait3A_74] : memref<100000x128xf32, #tpu.memory_space<hbm>> -> memref<100000x128xf32, #tpu.memory_space<hbm>>
      tpu.wait_indirect_dma semaphore(%arg16 : memref<!tpu.dma_semaphore, #tpu.memory_space<semaphore_mem>>) src(%dma_wait3A_75 : memref<100000x128xf32, #tpu.memory_space<hbm>>) dst(%arg11 : memref<128x128xf32, #tpu.memory_space<vmem>>)
      %dma_wait3A_76 = arith.constant 0 : i32
      %dma_wait3A_77 = tpu.memref_slice %arg8[%dma_wait3A_76] : memref<512xi32, #tpu.memory_space<vmem>> -> memref<128xi32, #tpu.memory_space<vmem>>
      %dma_wait3A_78 = arith.constant 0 : i32
      %dma_wait3A_79 = arith.constant 0 : i32
      %dma_wait3A_80 = tpu.memref_slice %arg5[%dma_wait3A_78, %dma_wait3A_79] : memref<100000x128xf32, #tpu.memory_space<hbm>> -> memref<100000x128xf32, #tpu.memory_space<hbm>>
      tpu.wait_indirect_dma semaphore(%arg17 : memref<!tpu.dma_semaphore, #tpu.memory_space<semaphore_mem>>) src(%dma_wait3A_80 : memref<100000x128xf32, #tpu.memory_space<hbm>>) dst(%arg12 : memref<128x128xf32, #tpu.memory_space<vmem>>)
      %parallel_loop3A_81 = arith.constant 0 : i32
      %parallel_loop3A_82 = arith.constant 128 : i32
      %parallel_loop3A_83 = arith.constant 1 : i32
      scf.for %parallel_loop3A_104 = %parallel_loop3A_81 to %parallel_loop3A_82 step %parallel_loop3A_83  : i32 {
        %parallel_loop3A_105 = arith.index_cast %parallel_loop3A_104 : i32 to index
        %parallel_loop3A_106 = arith.constant 0 : index
        %parallel_loop3A_107 = tpu.vector_load %arg11[%parallel_loop3A_105, %parallel_loop3A_106] {strides = array<i32>} : memref<128x128xf32, #tpu.memory_space<vmem>>, vector<16xf32>,
        %parallel_loop3A_108 = arith.index_cast %parallel_loop3A_104 : i32 to index
        %parallel_loop3A_109 = arith.constant 0 : index
        %parallel_loop3A_110 = tpu.vector_load %arg12[%parallel_loop3A_108, %parallel_loop3A_109] {strides = array<i32>} : memref<128x128xf32, #tpu.memory_space<vmem>>, vector<16xf32>,
        %parallel_loop3A_111 = arith.mulf %parallel_loop3A_107, %parallel_loop3A_110 : vector<16xf32>
        %parallel_loop3A_112 = arith.index_cast %parallel_loop3A_104 : i32 to index
        %parallel_loop3A_113 = arith.constant 16 : index
        %parallel_loop3A_114 = tpu.vector_load %arg11[%parallel_loop3A_112, %parallel_loop3A_113] {strides = array<i32>} : memref<128x128xf32, #tpu.memory_space<vmem>>, vector<16xf32>,
        %parallel_loop3A_115 = arith.index_cast %parallel_loop3A_104 : i32 to index
        %parallel_loop3A_116 = arith.constant 16 : index
        %parallel_loop3A_117 = tpu.vector_load %arg12[%parallel_loop3A_115, %parallel_loop3A_116] {strides = array<i32>} : memref<128x128xf32, #tpu.memory_space<vmem>>, vector<16xf32>,
        %parallel_loop3A_118 = arith.mulf %parallel_loop3A_114, %parallel_loop3A_117 : vector<16xf32>
        %parallel_loop3A_119 = arith.addf %parallel_loop3A_111, %parallel_loop3A_118 : vector<16xf32>
        %parallel_loop3A_120 = arith.index_cast %parallel_loop3A_104 : i32 to index
        %parallel_loop3A_121 = arith.constant 32 : index
        %parallel_loop3A_122 = tpu.vector_load %arg11[%parallel_loop3A_120, %parallel_loop3A_121] {strides = array<i32>} : memref<128x128xf32, #tpu.memory_space<vmem>>, vector<16xf32>,
        %parallel_loop3A_123 = arith.index_cast %parallel_loop3A_104 : i32 to index
        %parallel_loop3A_124 = arith.constant 32 : index
        %parallel_loop3A_125 = tpu.vector_load %arg12[%parallel_loop3A_123, %parallel_loop3A_124] {strides = array<i32>} : memref<128x128xf32, #tpu.memory_space<vmem>>, vector<16xf32>,
        %parallel_loop3A_126 = arith.mulf %parallel_loop3A_122, %parallel_loop3A_125 : vector<16xf32>
        %parallel_loop3A_127 = arith.addf %parallel_loop3A_119, %parallel_loop3A_126 : vector<16xf32>
        %parallel_loop3A_128 = arith.index_cast %parallel_loop3A_104 : i32 to index
        %parallel_loop3A_129 = arith.constant 48 : index
        %parallel_loop3A_130 = tpu.vector_load %arg11[%parallel_loop3A_128, %parallel_loop3A_129] {strides = array<i32>} : memref<128x128xf32, #tpu.memory_space<vmem>>, vector<16xf32>,
        %parallel_loop3A_131 = arith.index_cast %parallel_loop3A_104 : i32 to index
        %parallel_loop3A_132 = arith.constant 48 : index
        %parallel_loop3A_133 = tpu.vector_load %arg12[%parallel_loop3A_131, %parallel_loop3A_132] {strides = array<i32>} : memref<128x128xf32, #tpu.memory_space<vmem>>, vector<16xf32>,
        %parallel_loop3A_134 = arith.mulf %parallel_loop3A_130, %parallel_loop3A_133 : vector<16xf32>
        %parallel_loop3A_135 = arith.addf %parallel_loop3A_127, %parallel_loop3A_134 : vector<16xf32>
        %parallel_loop3A_136 = arith.index_cast %parallel_loop3A_104 : i32 to index
        %parallel_loop3A_137 = arith.constant 64 : index
        %parallel_loop3A_138 = tpu.vector_load %arg11[%parallel_loop3A_136, %parallel_loop3A_137] {strides = array<i32>} : memref<128x128xf32, #tpu.memory_space<vmem>>, vector<16xf32>,
        %parallel_loop3A_139 = arith.index_cast %parallel_loop3A_104 : i32 to index
        %parallel_loop3A_140 = arith.constant 64 : index
        %parallel_loop3A_141 = tpu.vector_load %arg12[%parallel_loop3A_139, %parallel_loop3A_140] {strides = array<i32>} : memref<128x128xf32, #tpu.memory_space<vmem>>, vector<16xf32>,
        %parallel_loop3A_142 = arith.mulf %parallel_loop3A_138, %parallel_loop3A_141 : vector<16xf32>
        %parallel_loop3A_143 = arith.addf %parallel_loop3A_135, %parallel_loop3A_142 : vector<16xf32>
        %parallel_loop3A_144 = arith.index_cast %parallel_loop3A_104 : i32 to index
        %parallel_loop3A_145 = arith.constant 80 : index
        %parallel_loop3A_146 = tpu.vector_load %arg11[%parallel_loop3A_144, %parallel_loop3A_145] {strides = array<i32>} : memref<128x128xf32, #tpu.memory_space<vmem>>, vector<16xf32>,
        %parallel_loop3A_147 = arith.index_cast %parallel_loop3A_104 : i32 to index
        %parallel_loop3A_148 = arith.constant 80 : index
        %parallel_loop3A_149 = tpu.vector_load %arg12[%parallel_loop3A_147, %parallel_loop3A_148] {strides = array<i32>} : memref<128x128xf32, #tpu.memory_space<vmem>>, vector<16xf32>,
        %parallel_loop3A_150 = arith.mulf %parallel_loop3A_146, %parallel_loop3A_149 : vector<16xf32>
        %parallel_loop3A_151 = arith.addf %parallel_loop3A_143, %parallel_loop3A_150 : vector<16xf32>
        %parallel_loop3A_152 = arith.index_cast %parallel_loop3A_104 : i32 to index
        %parallel_loop3A_153 = arith.constant 96 : index
        %parallel_loop3A_154 = tpu.vector_load %arg11[%parallel_loop3A_152, %parallel_loop3A_153] {strides = array<i32>} : memref<128x128xf32, #tpu.memory_space<vmem>>, vector<16xf32>,
        %parallel_loop3A_155 = arith.index_cast %parallel_loop3A_104 : i32 to index
        %parallel_loop3A_156 = arith.constant 96 : index
        %parallel_loop3A_157 = tpu.vector_load %arg12[%parallel_loop3A_155, %parallel_loop3A_156] {strides = array<i32>} : memref<128x128xf32, #tpu.memory_space<vmem>>, vector<16xf32>,
        %parallel_loop3A_158 = arith.mulf %parallel_loop3A_154, %parallel_loop3A_157 : vector<16xf32>
        %parallel_loop3A_159 = arith.addf %parallel_loop3A_151, %parallel_loop3A_158 : vector<16xf32>
        %parallel_loop3A_160 = arith.index_cast %parallel_loop3A_104 : i32 to index
        %parallel_loop3A_161 = arith.constant 112 : index
        %parallel_loop3A_162 = tpu.vector_load %arg11[%parallel_loop3A_160, %parallel_loop3A_161] {strides = array<i32>} : memref<128x128xf32, #tpu.memory_space<vmem>>, vector<16xf32>,
        %parallel_loop3A_163 = arith.index_cast %parallel_loop3A_104 : i32 to index
        %parallel_loop3A_164 = arith.constant 112 : index
        %parallel_loop3A_165 = tpu.vector_load %arg12[%parallel_loop3A_163, %parallel_loop3A_164] {strides = array<i32>} : memref<128x128xf32, #tpu.memory_space<vmem>>, vector<16xf32>,
        %parallel_loop3A_166 = arith.mulf %parallel_loop3A_162, %parallel_loop3A_165 : vector<16xf32>
        %parallel_loop3A_167 = arith.addf %parallel_loop3A_159, %parallel_loop3A_166 : vector<16xf32>
        %parallel_loop3A_168 = arith.constant true
        %parallel_loop3A_169 = vector.broadcast %parallel_loop3A_168 : i1 to vector<16xi1>
        %parallel_loop3A_170 = tpu.scan <sum>, %parallel_loop3A_167 masked %parallel_loop3A_169 : vector<16xf32>, vector<16xi1> -> vector<16xf32>
        %parallel_loop3A_171 = arith.constant 0 : i32
        %parallel_loop3A_172 = vector.broadcast %parallel_loop3A_171 : i32 to vector<16xi32>
        %parallel_loop3A_173 = arith.constant 128 : i32
        %parallel_loop3A_174 = arith.muli %add3A_70, %parallel_loop3A_173 : i32
        %parallel_loop3A_175 = arith.addi %parallel_loop3A_174, %parallel_loop3A_104 : i32
        %parallel_loop3A_176 = vector.broadcast %parallel_loop3A_175 : i32 to vector<16xi32>
        %parallel_loop3A_177 = arith.addi %parallel_loop3A_172, %parallel_loop3A_176 : vector<16xi32>
        tpu.vector_store_idx %arg13[%parallel_loop3A_177], %parallel_loop3A_170 masked %eq3A_10 : memref<512xf32, #tpu.memory_space<vmem>>[vector<16xi32>], vector<16xf32>, vector<16xi1>
      } {sc.loop_unroll_factor = 2 : i64, sc.parallel_access}
      %add3A_84 = arith.constant 2 : i32
      %add3A_85 = arith.addi %add3A_70, %add3A_84 : i32
      %lt3A_86 = arith.constant 4 : i32
      %lt3A_87 = arith.cmpi slt, %add3A_85, %lt3A_86 : i32
      %convert_element_type3A_88 = arith.extui %lt3A_87 : i1 to i32
      %cond3A_89 = arith.constant 0 : i32
      %cond3A_90 = arith.cmpi ne, %convert_element_type3A_88, %cond3A_89 : i32
      scf.if %cond3A_90 {
        %add3A_104 = arith.constant 2 : i32
        %add3A_105 = arith.addi %add3A_70, %add3A_104 : i32
        %mul3A_106 = arith.constant 128 : i32
        %mul3A_107 = arith.muli %add3A_105, %mul3A_106 : i32
        %dma_start3A_108 = tpu.memref_slice %arg7[%mul3A_107] : memref<512xi32, #tpu.memory_space<vmem>> -> memref<128xi32, #tpu.memory_space<vmem>>
        %dma_start3A_109 = arith.constant 0 : i32
        %dma_start3A_110 = arith.constant 0 : i32
        %dma_start3A_111 = tpu.memref_slice %arg4[%dma_start3A_109, %dma_start3A_110] : memref<100000x128xf32, #tpu.memory_space<hbm>> -> memref<100000x128xf32, #tpu.memory_space<hbm>>
        tpu.enqueue_indirect_dma source(%dma_start3A_111 : memref<100000x128xf32, #tpu.memory_space<hbm>>) target(%arg11 : memref<128x128xf32, #tpu.memory_space<vmem>>) offsets(%dma_start3A_108 : memref<128xi32, #tpu.memory_space<vmem>>) semaphore(%arg16 : memref<!tpu.dma_semaphore, #tpu.memory_space<semaphore_mem>>)
        %mul3A_112 = arith.constant 128 : i32
        %mul3A_113 = arith.muli %add3A_105, %mul3A_112 : i32
        %dma_start3A_114 = tpu.memref_slice %arg8[%mul3A_113] : memref<512xi32, #tpu.memory_space<vmem>> -> memref<128xi32, #tpu.memory_space<vmem>>
        %dma_start3A_115 = arith.constant 0 : i32
        %dma_start3A_116 = arith.constant 0 : i32
        %dma_start3A_117 = tpu.memref_slice %arg5[%dma_start3A_115, %dma_start3A_116] : memref<100000x128xf32, #tpu.memory_space<hbm>> -> memref<100000x128xf32, #tpu.memory_space<hbm>>
        tpu.enqueue_indirect_dma source(%dma_start3A_117 : memref<100000x128xf32, #tpu.memory_space<hbm>>) target(%arg12 : memref<128x128xf32, #tpu.memory_space<vmem>>) offsets(%dma_start3A_114 : memref<128xi32, #tpu.memory_space<vmem>>) semaphore(%arg17 : memref<!tpu.dma_semaphore, #tpu.memory_space<semaphore_mem>>)
      } else {
      }
      %mul3A_91 = arith.constant 2 : i32
      %mul3A_92 = arith.muli %mul3A_91, %scan3A_48 : i32
      %mul3A_93 = arith.constant 128 : i32
      %mul3A_94 = arith.muli %mul3A_92, %mul3A_93 : i32
      %mul3A_95 = arith.constant 2 : i32
      %mul3A_96 = arith.muli %mul3A_95, %scan3A_48 : i32
      %mul3A_97 = arith.constant 128 : i32
      %mul3A_98 = arith.muli %mul3A_96, %mul3A_97 : i32
      %add3A_99 = arith.addi %mul3A_2, %mul3A_98 : i32
      %dma_start3A_100 = tpu.memref_slice %arg13[%mul3A_94] : memref<512xf32, #tpu.memory_space<vmem>> -> memref<256xf32, #tpu.memory_space<vmem>>
      %dma_start3A_101 = tpu.memref_slice %arg6[%add3A_99] : memref<16384xf32, #tpu.memory_space<hbm>> -> memref<256xf32, #tpu.memory_space<hbm>>
      %dma_start3A_102 = tpu.memref_slice %arg6[%add3A_99] : memref<16384xf32, #tpu.memory_space<hbm>> -> memref<256xf32, #tpu.memory_space<hbm>>
      %dma_start3A_103 = tpu.memref_slice %arg13[%mul3A_94] : memref<512xf32, #tpu.memory_space<vmem>> -> memref<256xf32, #tpu.memory_space<vmem>>
      tpu.enqueue_dma source(%dma_start3A_103 : memref<256xf32, #tpu.memory_space<vmem>>) target(%dma_start3A_102 : memref<256xf32, #tpu.memory_space<hbm>>) target_semaphore(%arg18 : memref<!tpu.dma_semaphore, #tpu.memory_space<semaphore_mem>>)
    }
    %scan3A_35 = arith.constant 2 : i32
    %dma_wait3A_36 = arith.constant 0 : i32
    %dma_wait3A_37 = tpu.memref_slice %arg13[%dma_wait3A_36] : memref<512xf32, #tpu.memory_space<vmem>> -> memref<256xf32, #tpu.memory_space<vmem>>
    %dma_wait3A_38 = tpu.memref_slice %arg6[%mul3A_2] : memref<16384xf32, #tpu.memory_space<hbm>> -> memref<256xf32, #tpu.memory_space<hbm>>
    %dma_wait3A_39 = tpu.memref_slice %arg6[%mul3A_2] : memref<16384xf32, #tpu.memory_space<hbm>> -> memref<256xf32, #tpu.memory_space<hbm>>
    %dma_wait3A_40 = arith.constant 0 : i32
    %dma_wait3A_41 = tpu.memref_slice %arg13[%dma_wait3A_40] : memref<512xf32, #tpu.memory_space<vmem>> -> memref<256xf32, #tpu.memory_space<vmem>>
    tpu.wait_dma2 semaphore(%arg18 : memref<!tpu.dma_semaphore, #tpu.memory_space<semaphore_mem>>) src(%dma_wait3A_41 : memref<256xf32, #tpu.memory_space<vmem>>) dst(%dma_wait3A_39 : memref<256xf32, #tpu.memory_space<hbm>>)
    %dma_wait3A_42 = arith.constant 0 : i32
    %dma_wait3A_43 = tpu.memref_slice %arg13[%dma_wait3A_42] : memref<512xf32, #tpu.memory_space<vmem>> -> memref<256xf32, #tpu.memory_space<vmem>>
    %dma_wait3A_44 = tpu.memref_slice %arg6[%mul3A_2] : memref<16384xf32, #tpu.memory_space<hbm>> -> memref<256xf32, #tpu.memory_space<hbm>>
    %dma_wait3A_45 = tpu.memref_slice %arg6[%mul3A_2] : memref<16384xf32, #tpu.memory_space<hbm>> -> memref<256xf32, #tpu.memory_space<hbm>>
    %dma_wait3A_46 = arith.constant 0 : i32
    %dma_wait3A_47 = tpu.memref_slice %arg13[%dma_wait3A_46] : memref<512xf32, #tpu.memory_space<vmem>> -> memref<256xf32, #tpu.memory_space<vmem>>
    tpu.wait_dma2 semaphore(%arg18 : memref<!tpu.dma_semaphore, #tpu.memory_space<semaphore_mem>>) src(%dma_wait3A_47 : memref<256xf32, #tpu.memory_space<vmem>>) dst(%dma_wait3A_45 : memref<256xf32, #tpu.memory_space<hbm>>)
    return
  }
}

</mosaic_0001>

<sc_bundles>
// kernel: kernel.3.cloned.1.call-start
scs
__scs_entry_jumppad:
0x0: {  	(pc) =	sbr.rel $0x88, $3  }
0x1: {  	(tag) =	ssettag $0x0;
	lr =	simm.s32 $0x1  }
0x2: {  	[smem:$0x3F9D] =	sst lr;
	_ =	strace $0xD0000000  }
0x3: {  	_ = 	snop  }
0x4: {  	_ = 	snop  }
0x5: {  	_ = 	snop  }
0x6: {  	_ = 	snop  }
0x7: {  	_ = 	snop  }
__scs_overlays_trampoline_lowered:
0x8: {  	[smem:$0x3FAC] =	sst s0  }
0x9: {  	[smem:$0x3FAD] =	sst s1  }
0xa: {  	[smem:$0x3FAE] =	sst s2  }
0xb: {  	[smem:$0x3FAF] =	sst s3  }
0xc: {  	[smem:$0x3FB0] =	sst s4  }
0xd: {  	[smem:$0x3FB1] =	sst s5  }
0xe: {  	[smem:$0x3FB2] =	sst s6  }
0xf: {  	[smem:$0x3FB3] =	sst s7  }
0x10: {  	[smem:$0x3FB4] =	sst s8  }
0x11: {  	[smem:$0x3FB5] =	sst s9;
	s0 =	simm.s32 @!p0 $0x0  }
0x12: {  	s1 =	sld [smem:$0x3F9B];
	s0 =	simm.s32 @p0 $0x1  }
0x13: {  	[smem:$0x3FB6] =	sst s0;
	s0 =	simm.s32 @!p1 $0x0  }
0x14: {  	s2 =	sld [smem:$0x3F9A];
	s0 =	simm.s32 @p1 $0x1  }
0x15: {  	[smem:$0x3FB7] =	sst s0;
	s0 =	simm.s32 @!p2 $0x0  }
0x16: {  	s3 =	sld [smem:$0x3FDB];
	s0 =	simm.s32 @p2 $0x1  }
0x17: {  	s4 =	simm.s32 $0x1BF5;
	[smem:$0x3FB9] =	sst s0  }
0x18: {  	s0 =	sld [smem:$0x3F9C];
	_ =	swait.ge [sflag:s4], $0x0  }
0x19: {  	s7 =	sld [smem:$0x3F9D]  }
0x1a: {  	s8 =	sadd.s32 $0xFFFFE003, lr  }
0x1b: {  	s9 =	sadd.s32 $0xFFFFFEF7, lr;
	s5 =	simm.s32 $0xFFFFFFFF;
	p2 =	slt.u32 s8, $0xFFFFF086  }
0x1c: {  	p1 =	slt.u32 s9, $0xF7A;
	s5 =	simm.s32 @!p2 $0x0  }
0x1d: {  	s5 =	simm.s32 @p1 $0x1;
	p0 =	seq.s32 s7, s2  }
0x1e: {  	s7 =	smul.u32 @!p0 $0xF7A, s2;
	p2 =	seq.s32 @!p0 s5, $0x0  }
0x1f: {  	s9 =	smul.u32 $0xF7A, s1;
	s8 =	simm.s32 @!p0 $0x1BF5;
	p2 =	por !p2, p0  }
0x20: {  	[sflag:s8] =	ssyncset.s32 @!p0 $0xFFFFF086;
	s6 =	sadd.s32 @!p0 s3, s7;
	s7 =	simm.s32 @!p0 $0x108  }
0x21: {  	s3 =	sadd.s32 s3, s9;
	s6 =	sadd.s32 @!p0 $0x88, s6;
	s7 =	simm.s32 @p2 $0x1082  }
0x22: {  	[simem:s7], [sflag:s8] =	dma.local @!p0 [hbm:s6], $0xF7A  }
0x23: {  	s9 =	sor.u32 $0xD0000000, s2;
	s6 =	simm.s32 $0x108;
	_ =	swait.ge @!p0 [sflag:s8], $0x0  }
0x24: {  	s3 =	sadd.s32 $0x88, s3;
	s6 =	simm.s32 @!p1 $0x1082;
	[sflag:s4] =	ssyncset.s32 $0xFFFFF086  }
0x25: {  	[simem:s6], [sflag:s4] =	dma.local [hbm:s3], $0xF7A  }
0x26: {  	[smem:$0x3F9D] =	sst s1;
	(tag) =	ssettag s2;
	_ =	strace s9  }
0x27: {  	s1 =	sld [smem:$0x3FAD]  }
0x28: {  	s2 =	sld [smem:$0x3FAE]  }
0x29: {  	s4 =	sld [smem:$0x3FB0]  }
0x2a: {  	p0 =	seq.s32 s5, $0x0;
	s5 =	sld [smem:$0x3FB1]  }
0x2b: {  	s6 =	sld [smem:$0x3FB2]  }
0x2c: {  	s7 =	sld [smem:$0x3FB3]  }
0x2d: {  	s3 =	simm.s32 $0x108;
	s8 =	sld [smem:$0x3FB4]  }
0x2e: {  	s3 =	simm.s32 @!p0 $0x1082;
	s9 =	sld [smem:$0x3FB5]  }
0x2f: {  	lr =	sadd.s32 s0, s3;
	s0 =	sld [smem:$0x3FAC]  }
0x30: {  	s3 =	sld [smem:$0x3FAF]  }
0x31: {  	[smem:$0x3FB8] =	sst s10  }
0x32: {  	s10 =	sld [smem:$0x3FB6];
	_ =	sdelay $0x3  }
0x33: {  	p0 =	seq.s32 s10, $0x1;
	s10 =	sld [smem:$0x3FB8];
	_ =	sdelay $0x3  }
0x34: {  	[smem:$0x3FB8] =	sst s10  }
0x35: {  	s10 =	sld [smem:$0x3FB7];
	_ =	sdelay $0x3  }
0x36: {  	p1 =	seq.s32 s10, $0x1;
	s10 =	sld [smem:$0x3FB8];
	_ =	sdelay $0x3  }
0x37: {  	[smem:$0x3FB8] =	sst s10  }
0x38: {  	s10 =	sld [smem:$0x3FB9]  }
0x39: {  	_ = 	snop;
	(pc) =	sbr.ind lr, $3  }
0x3a: {  	_ = 	snop  }
0x3b: {  	_ = 	snop  }
0x3c: {  	p2 =	seq.s32 s10, $0x1;
	s10 =	sld [smem:$0x3FB8]  }
0x3d: {  	_ =	shalt  }
0x3e: {  	_ =	shalt  }
0x3f: {  	_ =	shalt  }
0x40: {  	_ =	shalt  }
0x41: {  	_ =	shalt  }
0x42: {  	_ =	shalt  }
0x43: {  	_ =	shalt  }
0x44: {  	_ =	shalt  }
0x45: {  	_ =	shalt  }
0x46: {  	_ =	shalt  }
0x47: {  	_ =	shalt  }
0x48: {  	_ =	shalt  }
0x49: {  	_ =	shalt  }
0x4a: {  	_ =	shalt  }
0x4b: {  	_ =	shalt  }
0x4c: {  	_ =	shalt  }
0x4d: {  	_ =	shalt  }
0x4e: {  	_ =	shalt  }
0x4f: {  	_ =	shalt  }
0x50: {  	_ =	shalt  }
0x51: {  	_ =	shalt  }
0x52: {  	_ =	shalt  }
0x53: {  	_ =	shalt  }
0x54: {  	_ =	shalt  }
0x55: {  	_ =	shalt  }
0x56: {  	_ =	shalt  }
0x57: {  	_ =	shalt  }
0x58: {  	_ =	shalt  }
0x59: {  	_ =	shalt  }
0x5a: {  	_ =	shalt  }
0x5b: {  	_ =	shalt  }
0x5c: {  	_ =	shalt  }
0x5d: {  	_ =	shalt  }
0x5e: {  	_ =	shalt  }
0x5f: {  	_ =	shalt  }
0x60: {  	_ =	shalt  }
0x61: {  	_ =	shalt  }
0x62: {  	_ =	shalt  }
0x63: {  	_ =	shalt  }
0x64: {  	_ =	shalt  }
0x65: {  	_ =	shalt  }
0x66: {  	_ =	shalt  }
0x67: {  	_ =	shalt  }
0x68: {  	_ =	shalt  }
0x69: {  	_ =	shalt  }
0x6a: {  	_ =	shalt  }
0x6b: {  	_ =	shalt  }
0x6c: {  	_ =	shalt  }
0x6d: {  	_ =	shalt  }
0x6e: {  	_ =	shalt  }
0x6f: {  	_ =	shalt  }
0x70: {  	_ =	shalt  }
0x71: {  	_ =	shalt  }
0x72: {  	_ =	shalt  }
0x73: {  	_ =	shalt  }
0x74: {  	_ =	shalt  }
0x75: {  	_ =	shalt  }
0x76: {  	_ =	shalt  }
0x77: {  	_ =	shalt  }
0x78: {  	_ =	shalt  }
0x79: {  	_ =	shalt  }
0x7a: {  	_ =	shalt  }
0x7b: {  	_ =	shalt  }
0x7c: {  	_ =	shalt  }
0x7d: {  	_ =	shalt  }
0x7e: {  	_ =	shalt  }
0x7f: {  	_ =	shalt  }
0x80: {  	_ =	shalt  }
0x81: {  	_ =	shalt  }
0x82: {  	_ =	shalt  }
0x83: {  	_ =	shalt  }
0x84: {  	_ =	shalt  }
0x85: {  	_ =	shalt  }
0x86: {  	_ =	shalt  }
0x87: {  	_ =	shalt  }
.Lfunc_end0:
.L_simem_size_0:
called_computation_lowered:
.L_overlay_start_0:
0x88: {  	s2 =	sld [smem:$0x3FD9]  }
0x89: {  	s3 =	sld [smem:$0x3FFE];
	_ =	sdelay $0x1  }
0x8a: {  	s1 =	srdreg.scid  }
0x8b: {  	s0 =	sand.u32 $0x1, s1  }
0x8c: {  	s18 =	sshll.u32 s0, $0xA;
	s2 =	sadd.s32 s3, s2  }
0x8d: {  	s2 =	sadd.s32 s2, s18  }
0x8e: {  	[smem:$0x3FC4] =	sst s2  }
0x8f: {  	_ = 	snop  }
0x90: {  	s2 =	sld [smem:$0x3FC9]  }
0x91: {  	s19 =	sld [smem:$0x3FC8]  }
0x92: {  	s4 =	sld [smem:$0x3FC7]  }
0x93: {  	s5 =	sld [smem:$0x3FC6]  }
0x94: {  	s6 =	sld [smem:$0x3FD0];
	(tm) =	ssettm $0x1  }
0x95: {  	s7 =	sld [smem:$0x3FFB];
	_ =	sdelay $0x3  }
0x96: {  	_ =	strace s7  }
0x97: {  	s7 =	sld [smem:$0x3FFC];
	_ =	sdelay $0x3  }
0x98: {  	_ =	strace s7  }
0x99: {  	s7 =	sld [smem:$0x3FFD];
	_ =	sdelay $0x3  }
0x9a: {  	_ =	strace s7  }
0x9b: {  	_ =	strace $0x8FFFFFFF  }
0x9c: {  	s20 =	sld [smem:$0x3FDB];
	_ =	sdelay $0x1  }
0x9d: {  	s8 =	simm.s32 $_scs_section_size  }
0x9e: {  	s9 =	simm.s32 $_size__tile_overlayer_lowered;
	s10 =	simm.s32 $_tile_overlayer_lowered  }
0x9f: {  	s23 =	simm.s32 $0x1BFF;
	s22 =	sshll.u32 s10, $0x1;
	s7 =	sadd.s32 s8, s20  }
0xa0: {  	s11 =	simm.s32 $0x0;
	s21 =	sshll.u32 s9, $0x1;
	s9 =	sadd.s32 s22, s7  }
0xa1: {  	[timem:s11], [sflag:s23] =	dma.local [hbm:s9], s21  }
0xa2: {  	_ =	swait.ge [sflag:s23], s21  }
0xa3: {  	s8 =	ssub.s32 $0x0, s21;
	[sflag:s23] =	ssyncset.done $0x0  }
0xa4: {  	[sflag:s23] =	ssyncadd.s32 s8;
	_ =	sdelay $0x1  }
0xa5: {  	s24 =	simm.s32 $0x1B8B  }
0xa6: {  	_ =	swait.ge [sflag:s24], $0x1  }
0xa7: {  	[sflag:s24] =	ssyncset.done $0x0  }
0xa8: {  	s25 =	simm.s32 $0x1B8E;
	[sflag:s24] =	ssyncadd.s32 $0xFFFFFFFF  }
0xa9: {  	s26 =	simm.s32 $execute0_lowered;
	[smem:$0x3FD2] =	sst s25  }
0xaa: {  	s8 =	sshll.u32 s26, $0x1;
	_ =	strace $0x80000046;
	[dreg:$0x1] =	wrdreg $0xFFFFFFFF  }
0xab: {  	s28 =	simm.s32 $_size_execute0_lowered;
	s7 =	sadd.s32 s7, s8;
	[dreg:$0x0] =	wrdreg $0x0  }
0xac: {  	s8 =	sshll.u32 s28, $0x1;
	[dreg:$0x2] =	wrdreg s7  }
0xad: {  	[dreg:$0x3] =	wrdreg s8  }
0xae: {  	[dreg:$0x4] =	wrdreg $0xC0  }
0xaf: {  	_ =	task [dreg:s11], $0x5FFFF  }
0xb0: {  	[dreg:$0x1] =	wrdreg $0xFFFFFFFF  }
0xb1: {  	[dreg:$0x0] =	wrdreg $0x60  }
0xb2: {  	[dreg:$0x2] =	wrdreg s2  }
0xb3: {  	[dreg:$0x3] =	wrdreg s19  }
0xb4: {  	[dreg:$0x4] =	wrdreg s4  }
0xb5: {  	[dreg:$0x5] =	wrdreg s5  }
0xb6: {  	[dreg:$0x6] =	wrdreg s6  }
0xb7: {  	[dreg:$0x7] =	wrdreg $0x9  }
0xb8: {  	_ =	task.clear_ibuf [dreg:s11], $0x8FFFF;
	_ =	strace $0x90000046  }
0xb9: {  	s29 =	simm.s32 $0x9;
	_ =	strace $0x80000048  }
0xba: {  	_ =	swait.ge [sflag:s29], $0x1  }
0xbb: {  	[sflag:s29] =	ssyncadd.s32 $0xFFFFFFFF  }
0xbc: {  	_ =	strace $0x90000048  }
0xbd: {  	_ =	sfence  }
0xbe: {  	s30 =	sld [smem:$0x0];
	_ =	sdelay $0x2  }
0xbf: {  	s31 =	sshll.u32 s1, $0xD;
	s1 =	sshrl.u32 s1, $0x2  }
0xc0: {  	s3 =	sand.u32 $0x4000, s31;
	s1 =	sadd.s32 s1, s30  }
0xc1: {  	s0 =	sor.u32 s3, s0;
	s1 =	sshll.u32 s1, $0x11  }
0xc2: {  	s0 =	sor.u32 s1, s0  }
0xc3: {  	s0 =	sadd.s32 $0x8F2B, s0  }
0xc4: {  	[sflag:s0] =	ssyncadd.remote.s32 $0x1  }
0xc5: {  	_ =	sfence.sel $0xFFFF  }
0xc6: {  	[dreg:$0x0] =	wrdreg $0xFFFFFFFF;
	(pc) =	sbr.abs _section_cstart, $3  }
0xc7: {  	[dreg:$0x1] =	wrdreg $0xFFFFFFFF  }
0xc8: {  	_ =	task.clear_ibuf [dreg:s11], $0x2FFFF;
	_ =	strace $0x9FFFFFFF  }
0xc9: {  	(tm) =	ssettm $0x7FFFFFFF  }
tec
execute0_lowered:
.L_overlay_start_1:
0x0: {  	(tag) =	ssettag $0x1  }
0x1: {  	s7 =	rddreg [dreg:$0x0]  }
0x2: {  	s8 =	rddreg [dreg:$0x1]  }
0x3: {  	s2 =	rddreg [dreg:$0x2]  }
0x4: {  	s3 =	rddreg [dreg:$0x3];
	s0 =	srdreg.scid  }
0x5: {  	s4 =	rddreg [dreg:$0x4];
	s1 =	stileid.u32;
	s5 =	simm.s32 $0x0  }
0x6: {  	s12 =	simm.s32 $0x2;
	s13 =	simm.s32 $0x80;
	s14 =	simm.s32 $0x400  }
0x7: {  	s15 =	simm.s32 $0x4400;
	s16 =	simm.s32 $0x8400;
	s17 =	simm.s32 $0x280  }
0x8: {  	s18 =	simm.s32 $0xC400;
	s19 =	simm.s32 $0x10400;
	s20 =	simm.s32 $0x3  }
0x9: {  	s21 =	simm.s32 $0x4;
	s22 =	simm.s32 $0x180;
	s23 =	simm.s32 $0x380  }
0xa: {  	s24 =	simm.s32 $0x5;
	s25 =	simm.s32 $0x0;
	s6 =	sand.u32 $0x1, s0  }
.Ltmp0:
0xb: {  	s9 =	sshll.u32 s1, $0xA;
	s10 =	sshll.u32 s6, $0x9;
	(pc) =	sbr.rel .LBB2_1-.Ltmp0, $4  }
0xc: {  	[smem:$0x7FF] =	sst s5;
	s11 =	ssub.s32 $0x2, s6;
	s6 =	sor.u32 s10, s9  }
0xd: {  	vm0 =	vcmask $0x3F3C;
	_ =	strace $0x80000047;
	s31 =	sshrl.u32 s11, $0x1;
	s10 =	sshrl.u32 s6, $0x3  }
0xe: {  	s9 =	ssub.s32 s11, s31;
	s11 =	simm.s32 $0x1;
	s7 =	sadd.s32 s7, s10  }
0xf: {  	s8 =	sadd.s32 s8, s10;
	s9 =	smax.u32 s9, $0x1;
	s10 =	simm.s32 $0x200  }
.LBB2_8:
0x10: {  	s0 =	sadd.s32 s4, s28;
	s26 =	sadd.s32 $0x10400, s26;
	s25 =	sadd.s32 $0x1, s25  }
0x11: {  	[hbm4b:s0+s5] =	stream.linear.scatter [tilespmem:s26], [sflag:$0x5], $0x100, $0x38;
	[tilespmem:$0x10600] =	vst v63  }
0x12: {  	p0 =	sne.s32 s25, s9;
	_ =	swait.ge [sflag:s24], $0x100  }
.Ltmp1:
0x13: {  	[sflag:s24] =	ssyncset.done $0x0;
	(pc) =	sbr.rel @!p0 .LBB2_9-.Ltmp1, $4  }
0x14: {  	[sflag:s24] =	ssyncadd.s32 $0xFFFFFF00  }
0x15: {  	_ =	swait.ge [sflag:s24], $0x100  }
0x16: {  	[sflag:s24] =	ssyncset.done $0x0  }
0x17: {  	[sflag:s24] =	ssyncadd.s32 $0xFFFFFF00  }
.LBB2_1:
0x18: {  	[tilespmem:s5], [sflag:$0x1] =	stream.linear.gather [hbm4b:s7+s5], $0x200, $0x38;
	[tilespmem:$0x10600] =	vst v63  }
0x19: {  	_ = 	snop  }
0x1a: {  	[tilespmem:s10], [sflag:$0x2] =	stream.linear.gather [hbm4b:s8+s5], $0x200, $0x38;
	[tilespmem:$0x10600] =	vst v63  }
0x1b: {  	_ =	swait.ge [sflag:s11], $0x200  }
0x1c: {  	[sflag:s11] =	ssyncset.done $0x0  }
0x1d: {  	[sflag:s11] =	ssyncadd.s32 $0xFFFFFE00  }
0x1e: {  	_ =	swait.ge [sflag:s12], $0x200  }
0x1f: {  	[sflag:s12] =	ssyncset.done $0x0  }
0x20: {  	[sflag:s12] =	ssyncadd.s32 $0xFFFFFE00  }
0x21: {  	[tilespmem:s14], [sflag:$0x1] =	stream.indirect.gather [hbm4b:s2+s13], $0x80, s5, s13, $0xb8;
	[tilespmem:$0x10600] =	vst v63  }
0x22: {  	_ = 	snop  }
0x23: {  	[tilespmem:s15], [sflag:$0x2] =	stream.indirect.gather [hbm4b:s3+s13], $0x80, s10, s13, $0xb8;
	[tilespmem:$0x10600] =	vst v63  }
0x24: {  	_ = 	snop  }
0x25: {  	[tilespmem:s16], [sflag:$0x3] =	stream.indirect.gather [hbm4b:s2+s13], $0x80, s13, s13, $0xb8;
	[tilespmem:$0x10600] =	vst v63  }
0x26: {  	p0 =	por $0x1, $0x1;
	s26 =	simm.s32 $0x0  }
0x27: {  	[tilespmem:s18], [sflag:$0x4] =	stream.indirect.gather [hbm4b:s3+s13], $0x80, s17, s13, $0xb8;
	[tilespmem:$0x10600] =	vst v63  }
.LBB2_2:
0x28: {  	_ =	swait.ge [sflag:s11], $0x4000  }
0x29: {  	[sflag:s11] =	ssyncset.done $0x0  }
0x2a: {  	[sflag:s11] =	ssyncadd.s32 $0xFFFFC000  }
0x2b: {  	_ =	swait.ge [sflag:s12], $0x4000  }
0x2c: {  	[sflag:s12] =	ssyncset.done $0x0  }
0x2d: {  	s29 =	simm.s32 $0x480;
	[sflag:s12] =	ssyncadd.s32 $0xFFFFC000  }
0x2e: {  	s28 =	simm.s32 $0x4480;
	v0 =	vld [tilespmem:s29+$0x0]  }
0x2f: {  	v1 =	vld [tilespmem:s28+$0x0]  }
0x30: {  	v2 =	vld [tilespmem:s29+$0x10]  }
0x31: {  	v3 =	vld [tilespmem:s28+$0x10]  }
0x32: {  	v4 =	vld [tilespmem:s29+$0x20]  }
0x33: {  	v5 =	vld [tilespmem:s28+$0x20]  }
0x34: {  	v6 =	vld [tilespmem:s29+$0x30]  }
0x35: {  	v7 =	vld [tilespmem:s28+$0x30]  }
0x36: {  	v8 =	vld [tilespmem:s29+$0x40]  }
0x37: {  	v9 =	vld [tilespmem:s28+$0x40]  }
0x38: {  	v10 =	vld [tilespmem:s29+$0x50];
	v0 =	vmul.f32 v1, v0;
	v1 =	vmul.f32 v3, v2  }
0x39: {  	v11 =	vld [tilespmem:s28+$0x50]  }
0x3a: {  	v12 =	vld [tilespmem:s29+$0x60];
	v0 =	vadd.f32 v1, v0;
	v1 =	vmul.f32 v5, v4  }
0x3b: {  	v13 =	vld [tilespmem:s28+$0x60]  }
0x3c: {  	v3 =	vld [tilespmem:s28+$0xFFFFFF80];
	v0 =	vadd.f32 v1, v0;
	v1 =	vmul.f32 v7, v6  }
0x3d: {  	v6 =	vld [tilespmem:s29+$0xFFFFFF80]  }
0x3e: {  	v14 =	vld [tilespmem:s29+$0x70];
	v0 =	vadd.f32 v1, v0;
	v1 =	vmul.f32 v9, v8  }
0x3f: {  	v2 =	vld [tilespmem:s28+$0x70]  }
0x40: {  	v0 =	vadd.f32 v1, v0;
	v1 =	vmul.f32 v11, v10;
	_ =	sdelay $0x1  }
0x41: {  	v4 =	vld [tilespmem:s29+$0xFFFFFF90];
	v3 =	vmul.f32 v3, v6;
	v6 =	vmul.f32 v13, v12;
	v1 =	vadd.f32 v1, v0  }
0x42: {  	v5 =	vld [tilespmem:s28+$0xFFFFFF90]  }
0x43: {  	v7 =	vld [tilespmem:s29+$0xFFFFFFA0];
	v2 =	vmul.f32 v2, v14;
	v6 =	vadd.f32 v6, v1  }
0x44: {  	v8 =	vld [tilespmem:s28+$0xFFFFFFA0]  }
0x45: {  	v9 =	vld [tilespmem:s29+$0xFFFFFFB0];
	v6 =	vadd.f32 v2, v6  }
0x46: {  	v10 =	vld [tilespmem:s28+$0xFFFFFFB0]  }
0x47: {  	v4 =	vmul.f32 v5, v4;
	v5 =	vld [tilespmem:s29+$0xFFFFFFC0];
	(xrf2) =	vadd.scan.msk.f32 $0xffff, v6  }
0x48: {  	v11 =	vld [tilespmem:s28+$0xFFFFFFC0]  }
0x49: {  	v0 =	vld [tilespmem:s29+$0xFFFFFFD0];
	v4 =	vadd.f32 v4, v3;
	v7 =	vmul.f32 v8, v7  }
0x4a: {  	v3 =	vld [tilespmem:s28+$0xFFFFFFD0]  }
0x4b: {  	s30 =	sadd.s32 $0xFFFFFFFE, s26;
	v1 =	vld [tilespmem:s29+$0xFFFFFFE0];
	v7 =	vadd.f32 v7, v4;
	v8 =	vmul.f32 v10, v9  }
0x4c: {  	s31 =	sadd.s32 $0x2, s30;
	s30 =	sadd.s32 $0x3, s30;
	v4 =	vld [tilespmem:s28+$0xFFFFFFE0]  }
0x4d: {  	v9 =	vmul.f32 v11, v5;
	v5 =	vmov s30;
	v2 =	vld [tilespmem:s29+$0xFFFFFFF0];
	v7 =	vadd.f32 v8, v7  }
0x4e: {  	s30 =	simm.s32 $0x580;
	s29 =	simm.s32 $0x0;
	v8 =	vmov s31;
	v6 =	vld [tilespmem:s28+$0xFFFFFFF0]  }
.LBB2_3:
0x4f: {  	v10 =	vld [tilespmem:s30+$0x0];
	v7 =	vadd.f32 v9, v7;
	v0 =	vmul.f32 v3, v0;
	v3 =	vand.u32 $0xFFFFFFFE, v8;
	s28 =	sadd.s32 $0x100, s28;
	s31 =	smov.u32 s29  }
0x50: {  	v8 =	vld [tilespmem:s28+$0x0];
	v3 =	vbroadcast v3, $0x0  }
0x51: {  	v9 =	vld [tilespmem:s30+$0x10];
	v0 =	vadd.f32 v0, v7;
	v1 =	vmul.f32 v4, v1;
	v4, _, _ =	vpop (xrf2)  }
0x52: {  	s29 =	sadd.s32 $0x2, s29;
	v7 =	vld [tilespmem:s28+$0x10];
	[tilespmem:v5+s19+$0x0] =	vst.idx.msk vm0, v4  }
0x53: {  	p1 =	slt.u32 s29, $0x7E;
	v4 =	vld [tilespmem:s30+$0x20];
	v0 =	vadd.f32 v1, v0;
	v1 =	vmul.f32 v6, v2  }
0x54: {  	v2 =	vld [tilespmem:s28+$0x20]  }
0x55: {  	v5 =	vld [tilespmem:s30+$0x30];
	v0 =	vadd.f32 v1, v0  }
0x56: {  	v1 =	vld [tilespmem:s28+$0x30]  }
0x57: {  	v6 =	vmul.f32 v8, v10;
	v7 =	vmul.f32 v7, v9;
	v8 =	vld [tilespmem:s30+$0x40];
	(xrf2) =	vadd.scan.msk.f32 $0xffff, v0  }
0x58: {  	v0 =	vld [tilespmem:s28+$0x40]  }
0x59: {  	v6 =	vadd.f32 v7, v6;
	v2 =	vmul.f32 v2, v4;
	v4 =	vld [tilespmem:s30+$0x50]  }
0x5a: {  	v7 =	vld [tilespmem:s28+$0x50]  }
0x5b: {  	v2 =	vadd.f32 v2, v6;
	v1 =	vmul.f32 v1, v5;
	v5 =	vld [tilespmem:s30+$0x60]  }
0x5c: {  	v6 =	vld [tilespmem:s28+$0x60]  }
0x5d: {  	v1 =	vadd.f32 v1, v2;
	v0 =	vmul.f32 v0, v8;
	v2 =	vld [tilespmem:s30+$0x70]  }
0x5e: {  	v8 =	vld [tilespmem:s28+$0x70]  }
0x5f: {  	v9 =	vld [tilespmem:s28+$0xFFFFFF80];
	v0 =	vadd.f32 v0, v1;
	v1 =	vmul.f32 v7, v4  }
0x60: {  	v4 =	vld [tilespmem:s30+$0xFFFFFF90]  }
0x61: {  	v7 =	vld [tilespmem:s28+$0xFFFFFF90];
	v0 =	vadd.f32 v1, v0;
	v1 =	vmul.f32 v6, v5;
	v5, _, _ =	vpop (xrf2)  }
0x62: {  	v6 =	vld [tilespmem:s30+$0xFFFFFF80];
	[tilespmem:v3+s19+$0x0] =	vst.idx.msk vm0, v5  }
0x63: {  	v3 =	vld [tilespmem:s30+$0xFFFFFFA0];
	v0 =	vadd.f32 v1, v0;
	v1 =	vmul.f32 v8, v2  }
0x64: {  	v2 =	vld [tilespmem:s28+$0xFFFFFFA0]  }
0x65: {  	v5 =	vld [tilespmem:s30+$0xFFFFFFB0];
	v0 =	vadd.f32 v1, v0  }
0x66: {  	v1 =	vmul.f32 v7, v4;
	v4 =	vld [tilespmem:s28+$0xFFFFFFB0]  }
0x67: {  	v6 =	vmul.f32 v9, v6;
	v8 =	vld [tilespmem:s30+$0xFFFFFFC0];
	(xrf2) =	vadd.scan.msk.f32 $0xffff, v0  }
0x68: {  	v9 =	vld [tilespmem:s28+$0xFFFFFFC0]  }
0x69: {  	v1 =	vadd.f32 v1, v6;
	v2 =	vmul.f32 v2, v3;
	v0 =	vld [tilespmem:s30+$0xFFFFFFD0]  }
.Ltmp2:
0x6a: {  	v3 =	vld [tilespmem:s28+$0xFFFFFFD0];
	(pc) =	sbr.rel @p1 .LBB2_3-.Ltmp2, $4  }
0x6b: {  	s31 =	sadd.s32 s31, s26;
	v2 =	vadd.f32 v2, v1;
	v5 =	vmul.f32 v4, v5;
	v1 =	vld [tilespmem:s30+$0xFFFFFFE0]  }
0x6c: {  	s0 =	sadd.s32 $0x2, s31;
	s31 =	sadd.s32 $0x3, s31;
	v4 =	vld [tilespmem:s28+$0xFFFFFFE0]  }
0x6d: {  	v7 =	vadd.f32 v5, v2;
	v9 =	vmul.f32 v9, v8;
	v2 =	vld [tilespmem:s30+$0xFFFFFFF0];
	v5 =	vmov s31  }
0x6e: {  	v8 =	vmov s0;
	s30 =	sadd.s32 $0x100, s30;
	v6 =	vld [tilespmem:s28+$0xFFFFFFF0]  }
0x6f: {  	v7 =	vadd.f32 v9, v7;
	v0 =	vmul.f32 v3, v0;
	_ =	sdelay $0x1  }
0x70: {  	v0 =	vadd.f32 v0, v7;
	v1 =	vmul.f32 v4, v1;
	_ =	sdelay $0x1  }
0x71: {  	v0 =	vadd.f32 v1, v0;
	v1 =	vmul.f32 v6, v2;
	_ =	sdelay $0x1  }
0x72: {  	v0 =	vadd.f32 v1, v0;
	_ =	sdelay $0x1  }
0x73: {  	(xrf2) =	vadd.scan.msk.f32 $0xffff, v0;
	_ =	sdelay $0x3  }
0x74: {  	v0 =	vand.u32 $0xFFFFFFFE, v8  }
0x75: {  	v0 =	vbroadcast v0, $0x0;
	_ =	sdelay $0x3  }
0x76: {  	v1, _, _ =	vpop (xrf2)  }
0x77: {  	[tilespmem:v5+s19+$0x0] =	vst.idx.msk vm0, v1;
	v1, _, _ =	vpop (xrf2)  }
0x78: {  	s0 =	simm.s32 @p0 $0x80;
	s28 =	simm.s32 @p0 $0x100;
	s29 =	simm.s32 @p0 $0x400;
	[tilespmem:v0+s19+$0x0] =	vst.idx.msk vm0, v1  }
0x79: {  	[tilespmem:s29], [sflag:$0x1] =	stream.indirect.gather @p0 [hbm4b:s2+s0], $0x80, s28, s0, $0xb8;
	[tilespmem:$0x10600] =	vst v63  }
0x7a: {  	s28 =	simm.s32 @p0 $0x300;
	s29 =	simm.s32 @p0 $0x4400  }
0x7b: {  	[tilespmem:s29], [sflag:$0x2] =	stream.indirect.gather @p0 [hbm4b:s3+s0], $0x80, s28, s0, $0xb8;
	[tilespmem:$0x10600] =	vst v63  }
0x7c: {  	_ =	swait.ge [sflag:s20], $0x4000  }
0x7d: {  	[sflag:s20] =	ssyncset.done $0x0  }
0x7e: {  	[sflag:s20] =	ssyncadd.s32 $0xFFFFC000  }
0x7f: {  	_ =	swait.ge [sflag:s21], $0x4000  }
0x80: {  	[sflag:s21] =	ssyncset.done $0x0  }
0x81: {  	s0 =	simm.s32 $0x8480;
	[sflag:s21] =	ssyncadd.s32 $0xFFFFC000  }
0x82: {  	s28 =	simm.s32 $0xC480;
	v0 =	vld [tilespmem:s0+$0x0]  }
0x83: {  	v1 =	vld [tilespmem:s28+$0x0]  }
0x84: {  	v2 =	vld [tilespmem:s0+$0x10]  }
0x85: {  	v3 =	vld [tilespmem:s28+$0x10]  }
0x86: {  	v4 =	vld [tilespmem:s0+$0x20]  }
0x87: {  	v5 =	vld [tilespmem:s28+$0x20]  }
0x88: {  	v6 =	vld [tilespmem:s0+$0x30]  }
0x89: {  	v7 =	vld [tilespmem:s28+$0x30]  }
0x8a: {  	v8 =	vld [tilespmem:s0+$0x40]  }
0x8b: {  	v9 =	vld [tilespmem:s28+$0x40]  }
0x8c: {  	v10 =	vld [tilespmem:s0+$0x50];
	v0 =	vmul.f32 v1, v0;
	v1 =	vmul.f32 v3, v2  }
0x8d: {  	v11 =	vld [tilespmem:s28+$0x50]  }
0x8e: {  	v12 =	vld [tilespmem:s0+$0x60];
	v0 =	vadd.f32 v1, v0;
	v1 =	vmul.f32 v5, v4  }
0x8f: {  	v13 =	vld [tilespmem:s28+$0x60]  }
0x90: {  	v3 =	vld [tilespmem:s28+$0xFFFFFF80];
	v0 =	vadd.f32 v1, v0;
	v1 =	vmul.f32 v7, v6  }
0x91: {  	v6 =	vld [tilespmem:s0+$0xFFFFFF80]  }
0x92: {  	v14 =	vld [tilespmem:s0+$0x70];
	v0 =	vadd.f32 v1, v0;
	v1 =	vmul.f32 v9, v8  }
0x93: {  	v2 =	vld [tilespmem:s28+$0x70]  }
0x94: {  	v0 =	vadd.f32 v1, v0;
	v1 =	vmul.f32 v11, v10;
	_ =	sdelay $0x1  }
0x95: {  	v4 =	vld [tilespmem:s0+$0xFFFFFF90];
	v3 =	vmul.f32 v3, v6;
	v6 =	vmul.f32 v13, v12;
	v1 =	vadd.f32 v1, v0  }
0x96: {  	v5 =	vld [tilespmem:s28+$0xFFFFFF90]  }
0x97: {  	v7 =	vld [tilespmem:s0+$0xFFFFFFA0];
	v2 =	vmul.f32 v2, v14;
	v6 =	vadd.f32 v6, v1  }
0x98: {  	v8 =	vld [tilespmem:s28+$0xFFFFFFA0]  }
0x99: {  	v9 =	vld [tilespmem:s0+$0xFFFFFFB0];
	v6 =	vadd.f32 v2, v6  }
0x9a: {  	v10 =	vld [tilespmem:s28+$0xFFFFFFB0]  }
0x9b: {  	v4 =	vmul.f32 v5, v4;
	v5 =	vld [tilespmem:s0+$0xFFFFFFC0];
	(xrf2) =	vadd.scan.msk.f32 $0xffff, v6  }
0x9c: {  	v11 =	vld [tilespmem:s28+$0xFFFFFFC0]  }
0x9d: {  	v0 =	vld [tilespmem:s0+$0xFFFFFFD0];
	v4 =	vadd.f32 v4, v3;
	v7 =	vmul.f32 v8, v7  }
0x9e: {  	v3 =	vld [tilespmem:s28+$0xFFFFFFD0]  }
0x9f: {  	s29 =	sadd.s32 $0xFFFFFFFE, s26;
	v1 =	vld [tilespmem:s0+$0xFFFFFFE0];
	v7 =	vadd.f32 v7, v4;
	v8 =	vmul.f32 v10, v9  }
0xa0: {  	s31 =	sadd.s32 $0x83, s29;
	v4 =	vld [tilespmem:s28+$0xFFFFFFE0]  }
0xa1: {  	s30 =	sadd.s32 $0x82, s29;
	v9 =	vmul.f32 v11, v5;
	v5 =	vmov s31;
	v2 =	vld [tilespmem:s0+$0xFFFFFFF0];
	v7 =	vadd.f32 v8, v7  }
0xa2: {  	s29 =	simm.s32 $0x0;
	v8 =	vmov s30;
	s30 =	simm.s32 $0x8580;
	v6 =	vld [tilespmem:s28+$0xFFFFFFF0]  }
.LBB2_5:
0xa3: {  	v10 =	vld [tilespmem:s30+$0x0];
	v7 =	vadd.f32 v9, v7;
	v0 =	vmul.f32 v3, v0;
	v3 =	vand.u32 $0xFFFFFFFE, v8;
	s28 =	sadd.s32 $0x100, s28;
	s31 =	smov.u32 s29  }
0xa4: {  	v8 =	vld [tilespmem:s28+$0x0];
	v3 =	vbroadcast v3, $0x0  }
0xa5: {  	v9 =	vld [tilespmem:s30+$0x10];
	v0 =	vadd.f32 v0, v7;
	v1 =	vmul.f32 v4, v1;
	v4, _, _ =	vpop (xrf2)  }
0xa6: {  	s29 =	sadd.s32 $0x2, s29;
	v7 =	vld [tilespmem:s28+$0x10];
	[tilespmem:v5+s19+$0x0] =	vst.idx.msk vm0, v4  }
0xa7: {  	p1 =	slt.u32 s29, $0x7E;
	v4 =	vld [tilespmem:s30+$0x20];
	v0 =	vadd.f32 v1, v0;
	v1 =	vmul.f32 v6, v2  }
0xa8: {  	v2 =	vld [tilespmem:s28+$0x20]  }
0xa9: {  	v5 =	vld [tilespmem:s30+$0x30];
	v0 =	vadd.f32 v1, v0  }
0xaa: {  	v1 =	vld [tilespmem:s28+$0x30]  }
0xab: {  	v6 =	vmul.f32 v8, v10;
	v7 =	vmul.f32 v7, v9;
	v8 =	vld [tilespmem:s30+$0x40];
	(xrf2) =	vadd.scan.msk.f32 $0xffff, v0  }
0xac: {  	v0 =	vld [tilespmem:s28+$0x40]  }
0xad: {  	v6 =	vadd.f32 v7, v6;
	v2 =	vmul.f32 v2, v4;
	v4 =	vld [tilespmem:s30+$0x50]  }
0xae: {  	v7 =	vld [tilespmem:s28+$0x50]  }
0xaf: {  	v2 =	vadd.f32 v2, v6;
	v1 =	vmul.f32 v1, v5;
	v5 =	vld [tilespmem:s30+$0x60]  }
0xb0: {  	v6 =	vld [tilespmem:s28+$0x60]  }
0xb1: {  	v1 =	vadd.f32 v1, v2;
	v0 =	vmul.f32 v0, v8;
	v2 =	vld [tilespmem:s30+$0x70]  }
0xb2: {  	v8 =	vld [tilespmem:s28+$0x70]  }
0xb3: {  	v9 =	vld [tilespmem:s28+$0xFFFFFF80];
	v0 =	vadd.f32 v0, v1;
	v1 =	vmul.f32 v7, v4  }
0xb4: {  	v4 =	vld [tilespmem:s30+$0xFFFFFF90]  }
0xb5: {  	v7 =	vld [tilespmem:s28+$0xFFFFFF90];
	v0 =	vadd.f32 v1, v0;
	v1 =	vmul.f32 v6, v5;
	v5, _, _ =	vpop (xrf2)  }
0xb6: {  	v6 =	vld [tilespmem:s30+$0xFFFFFF80];
	[tilespmem:v3+s19+$0x0] =	vst.idx.msk vm0, v5  }
0xb7: {  	v3 =	vld [tilespmem:s30+$0xFFFFFFA0];
	v0 =	vadd.f32 v1, v0;
	v1 =	vmul.f32 v8, v2  }
0xb8: {  	v2 =	vld [tilespmem:s28+$0xFFFFFFA0]  }
0xb9: {  	v5 =	vld [tilespmem:s30+$0xFFFFFFB0];
	v0 =	vadd.f32 v1, v0  }
0xba: {  	v1 =	vmul.f32 v7, v4;
	v4 =	vld [tilespmem:s28+$0xFFFFFFB0]  }
0xbb: {  	v6 =	vmul.f32 v9, v6;
	v8 =	vld [tilespmem:s30+$0xFFFFFFC0];
	(xrf2) =	vadd.scan.msk.f32 $0xffff, v0  }
0xbc: {  	v9 =	vld [tilespmem:s28+$0xFFFFFFC0]  }
0xbd: {  	v1 =	vadd.f32 v1, v6;
	v2 =	vmul.f32 v2, v3;
	v0 =	vld [tilespmem:s30+$0xFFFFFFD0]  }
.Ltmp3:
0xbe: {  	v3 =	vld [tilespmem:s28+$0xFFFFFFD0];
	(pc) =	sbr.rel @p1 .LBB2_5-.Ltmp3, $4  }
0xbf: {  	s0 =	sadd.s32 s31, s26;
	v2 =	vadd.f32 v2, v1;
	v5 =	vmul.f32 v4, v5;
	v1 =	vld [tilespmem:s30+$0xFFFFFFE0]  }
0xc0: {  	s31 =	sadd.s32 $0x82, s0;
	s0 =	sadd.s32 $0x83, s0;
	v4 =	vld [tilespmem:s28+$0xFFFFFFE0]  }
0xc1: {  	v7 =	vadd.f32 v5, v2;
	v9 =	vmul.f32 v9, v8;
	v2 =	vld [tilespmem:s30+$0xFFFFFFF0];
	v5 =	vmov s0  }
0xc2: {  	v8 =	vmov s31;
	s30 =	sadd.s32 $0x100, s30;
	v6 =	vld [tilespmem:s28+$0xFFFFFFF0]  }
0xc3: {  	v7 =	vadd.f32 v9, v7;
	v0 =	vmul.f32 v3, v0;
	_ =	sdelay $0x1  }
0xc4: {  	v0 =	vadd.f32 v0, v7;
	v1 =	vmul.f32 v4, v1;
	_ =	sdelay $0x1  }
0xc5: {  	v0 =	vadd.f32 v1, v0;
	v60 =	vmul.f32 v6, v2;
	_ =	sdelay $0x1  }
0xc6: {  	v0 =	vadd.f32 v60, v0;
	_ =	sdelay $0x1  }
0xc7: {  	(xrf2) =	vadd.scan.msk.f32 $0xffff, v0;
	_ =	sdelay $0x3  }
0xc8: {  	v61 =	vand.u32 $0xFFFFFFFE, v8  }
0xc9: {  	v0 =	vbroadcast v61, $0x0;
	_ =	sdelay $0x1  }
.Ltmp4:
0xca: {  	_ = 	snop;
	(pc) =	sbr.rel @!p0 .LBB2_8-.Ltmp4, $4  }
0xcb: {  	_ = 	snop  }
0xcc: {  	v62, _, _ =	vpop (xrf2)  }
0xcd: {  	s0 =	sor.u32 s6, s26;
	[tilespmem:v5+s19+$0x0] =	vst.idx.msk vm0, v62;
	v63, _, _ =	vpop (xrf2)  }
0xce: {  	s28 =	sshrl.u32 s0, $0x3;
	[tilespmem:v0+s19+$0x0] =	vst.idx.msk vm0, v63  }
0xcf: {  	[tilespmem:s16], [sflag:$0x3] =	stream.indirect.gather [hbm4b:s2+s13], $0x80, s22, s13, $0xb8;
	[tilespmem:$0x10600] =	vst v63  }
.Ltmp5:
0xd0: {  	_ = 	snop;
	(pc) =	sbr.rel .LBB2_2-.Ltmp5, $4  }
0xd1: {  	[tilespmem:s18], [sflag:$0x4] =	stream.indirect.gather [hbm4b:s3+s13], $0x80, s23, s13, $0xb8;
	[tilespmem:$0x10600] =	vst v63  }
0xd2: {  	s0 =	sadd.s32 s4, s28;
	s26 =	sadd.s32 $0x10400, s26  }
0xd3: {  	[hbm4b:s0+s5] =	stream.linear.scatter [tilespmem:s26], [sflag:$0x5], $0x100, $0x38;
	[tilespmem:$0x10600] =	vst v63  }
0xd4: {  	p0 =	por $0x0, $0x0;
	s26 =	simm.s32 $0x100  }
.LBB2_9:
0xd5: {  	_ =	sfence.sel $0x180000  }
0xd6: {  	[bflag:$0x0] =	sbarrier.arrive $0xFFFF  }
0xd7: {  	_ =	strace $0x90000047  }
0xd8: {  	[bflag:$0x2] =	sbarrier.arrive $0xFFFF  }
0xd9: {  	p0 =	sne.s32 s1, $0x0;
	s0 =	rddreg [dreg:$0x5]  }
0xda: {  	s0 =	sadd.s32 @!p0 $0x100000, s0  }
0xdb: {  	[sflag:s0] =	ssyncadd.tile.s32 @!p0 $0x1;
	_ =	shalt  }
.Lfunc_end2:
_tile_overlayer_lowered:
.L_overlay_start_2:
0xdc: {  	(tag) =	ssettag $0x2  }
0xdd: {  	s0 =	rddreg [dreg:$0x0];
	s2 =	stileid.u32  }
0xde: {  	s1 =	rddreg [dreg:$0x1];
	p0 =	sne.s32 s2, $0x0  }
0xdf: {  	s3 =	rddreg [dreg:$0x2];
	[bflag:$0x3] =	sbarrier.arrive $0xFFFF;
	s2 =	simm.s32 @!p0 $0x1C06  }
0xe0: {  	[timem:s3], [sflag:s2] =	dma.local @!p0 [hbm:s0], s1  }
0xe1: {  	s0 =	simm.s32 @!p0 $0x6  }
0xe2: {  	_ =	swait.ge @!p0 [sflag:s0], s1  }
0xe3: {  	s1 =	ssub.s32 @!p0 $0x0, s1;
	[sflag:s0] =	ssyncset.done @!p0 $0x0  }
0xe4: {  	[sflag:s0] =	ssyncadd.s32 @!p0 s1  }
0xe5: {  	[bflag:$0x3] =	sbarrier.arrive $0xFFFF  }
0xe6: {  	_ =	shalt  }

</sc_bundles>
